<compile_context>
chip_gen: v7x
topology: tpu7x:2x2x1
jax: 0.10.2.dev20260603
libtpu: 0.0.44.dev20260713+nightly
codegen_flags: <defaults>
</compile_context>

<pallas_src>
import functools

import jax
import jax.numpy as jnp
import numpy as np
from jax import lax
from jax.experimental import pallas as pl
from jax.experimental.pallas import tpu as pltpu
from jax.experimental.pallas import tpu_sc as plsc

_POOL = 1024
_LEN = 8
_DIM = 768
_TOPK = 4
_B = 4


def _select_body(cls_ref, key_ref, g_ref, out_ref):
    q = cls_ref[...]
    k = key_ref[...]
    qn = q * lax.rsqrt(jnp.maximum(jnp.sum(q * q, axis=1, keepdims=True), 1e-12))
    kn = k * lax.rsqrt(jnp.maximum(jnp.sum(k * k, axis=1, keepdims=True), 1e-12))
    sim = lax.dot_general(
        qn, kn, (((1,), (1,)), ((), ())),
        preferred_element_type=jnp.float32, precision=lax.Precision.HIGHEST,
    )
    col = lax.broadcasted_iota(jnp.int32, (_B, _POOL), 1)
    outcol = lax.broadcasted_iota(jnp.int32, (_B, 128), 1)
    acc = jnp.zeros((_B, 128), jnp.int32)
    for r in range(_TOPK):
        z = sim + g_ref[r * _B:(r + 1) * _B, :]
        m = jnp.max(z, axis=1, keepdims=True)
        idx = jnp.min(jnp.where(z >= m, col, _POOL), axis=1, keepdims=True)
        acc = acc + jnp.where(outcol == 8 * r, idx, 0)
        sim = jnp.where(col == idx, sim - 1000.0, sim)
    out_ref[...] = acc


_select = pl.pallas_call(
    _select_body,
    out_shape=jax.ShapeDtypeStruct((_B, 128), jnp.int32),
)

_ROWS_PER_SC = (_B * _TOPK) // 2


@functools.cache
def _make_gather():
    @functools.partial(
        pl.kernel,
        out_type=jax.ShapeDtypeStruct((_B * _TOPK, _LEN, _DIM), jnp.float32),
        mesh=plsc.VectorSubcoreMesh(core_axis_name="c", subcore_axis_name="s"),
        scratch_types=[
            pltpu.VMEM((1,), jnp.int32),
            pltpu.VMEM((1, _LEN, _DIM), jnp.float32),
            pltpu.SemaphoreType.DMA,
        ],
    )
    def _gather(idxm_hbm, table_hbm, out_hbm, idx_v, rows_v, sem):
        c = lax.axis_index("c")
        s = lax.axis_index("s")
        wid = s * 2 + c

        @pl.when(wid < _B * _TOPK)
        def _():
            b = wid // _TOPK
            r = wid % _TOPK
            pltpu.sync_copy(idxm_hbm.at[b, pl.ds(8 * r, 1)], idx_v)
            pltpu.async_copy(table_hbm.at[idx_v], rows_v, sem).wait()
            pltpu.sync_copy(rows_v, out_hbm.at[pl.ds(wid, 1)])

    return _gather




def _rotl32(x, d):
    return ((x << np.uint32(d)) | (x >> np.uint32(32 - d))).astype(np.uint32)


def _threefry2x32(k1, k2, x0, x1):
    x0 = np.asarray(x0, np.uint32).copy()
    x1 = np.asarray(x1, np.uint32).copy()
    ks0 = np.uint32(k1)
    ks1 = np.uint32(k2)
    ks2 = np.uint32(ks0 ^ ks1 ^ np.uint32(0x1BD11BDA))
    rots1 = (13, 15, 26, 6)
    rots2 = (17, 29, 16, 24)
    x0 += ks0
    x1 += ks1
    inject = [(ks1, ks2), (ks2, ks0), (ks0, ks1), (ks1, ks2), (ks2, ks0)]
    for g in range(5):
        for r in rots1 if g % 2 == 0 else rots2:
            x0 += x1
            x1 = _rotl32(x1, r)
            x1 ^= x0
        a, b = inject[g]
        x0 += a
        x1 += b + np.uint32(g + 1)
    return x0, x1


def _gumbel_const():
    key = (np.uint32(0), np.uint32(42))
    gs = []
    for _ in range(_TOPK):
        b1, b2 = _threefry2x32(key[0], key[1],
                               np.zeros(2, np.uint32),
                               np.arange(2, dtype=np.uint32))
        key, sub = (b1[0], b2[0]), (b1[1], b2[1])
        n = _B * _POOL
        b1, b2 = _threefry2x32(sub[0], sub[1],
                               np.zeros(n, np.uint32),
                               np.arange(n, dtype=np.uint32))
        bits = b1 ^ b2
        fb = (bits >> np.uint32(9)) | np.uint32(0x3F800000)
        f = fb.view(np.float32) - np.float32(1.0)
        u = f * (np.float32(1.0) - np.float32(1e-20)) + np.float32(1e-20)
        u = np.maximum(np.float32(1e-20), u).reshape(_B, _POOL)
        l1 = np.log(u, dtype=np.float32)
        gs.append(-np.log((-l1 + np.float32(1e-20)).astype(np.float32),
                          dtype=np.float32))
    return np.concatenate(gs, axis=0).astype(np.float32)


_G_NOISE = _gumbel_const()


def kernel(x_embed, cls_features, prompt, prompt_key):
    g = jnp.asarray(_G_NOISE)
    idx_mat = _select(cls_features, prompt_key, g)
    rows = _make_gather()(idx_mat, prompt)
    return rows.reshape(_B, _TOPK * _LEN, _DIM)

# --- scband reference (transcript-rebuilt; emitter-appended) ---
"""Pipeline reference for scband-gumbel-prompt-pool-11768210391457 (READ-ONLY COPY).

The authoritative reference and input builder live on the scoring server;
editing this copy changes nothing except your own understanding.
"""

import jax, jax.numpy as jnp
import numpy as np

POOL_SIZE = 1024
PROMPT_LENGTH = 8
EMBED_DIM = 768
TOP_K = 4
TAU = 1.0  # torch module defaults to training=True -> tau=1.0, subtractive masking


def l2_normalize(x, axis=-1, epsilon=1e-12):
    square_sum = jnp.sum(x ** 2, axis=axis, keepdims=True)
    x_inv_norm = jax.lax.rsqrt(jnp.maximum(square_sum, epsilon))
    return x * x_inv_norm


def gumbel_softmax_hard(key, logits, tau):
    u = jax.random.uniform(key, logits.shape, minval=1e-20, maxval=1.0)
    g = -jnp.log(-jnp.log(u) + 1e-20)
    y_soft = jax.nn.softmax((logits + g) / tau, axis=-1)
    idx = jnp.argmax(y_soft, axis=-1)
    y_hard = jax.nn.one_hot(idx, logits.shape[-1], dtype=y_soft.dtype)
    # straight-through estimator
    return y_hard - jax.lax.stop_gradient(y_soft) + y_soft


def setup_inputs(seed: int = 0) -> dict:
    key = jax.random.key(seed)
    k1, k2, k3, k4 = jax.random.split(key, 4)
    x_embed = jax.random.normal(k1, (4, 2048, EMBED_DIM), dtype=jnp.float32)
    cls_features = jax.random.normal(k2, (4, EMBED_DIM), dtype=jnp.float32)
    prompt = 0.02 * jax.random.normal(k3, (POOL_SIZE, PROMPT_LENGTH, EMBED_DIM), dtype=jnp.float32)
    prompt_key = 0.02 * jax.random.normal(k4, (POOL_SIZE, EMBED_DIM), dtype=jnp.float32)
    return {"x_embed": x_embed, "cls_features": cls_features, "prompt": prompt, "prompt_key": prompt_key}


def reference(x_embed, cls_features, prompt, prompt_key):
    # embedding_key == 'cls'
    query_features = cls_features
    prompt_key_norm = l2_normalize(prompt_key, axis=1)
    query_norm = l2_normalize(query_features, axis=1)
    similarity = jnp.matmul(query_norm, prompt_key_norm.T)  # [B, pool_size]

    current_similarity = similarity
    selected_prompts = []
    gkey = jax.random.key(42)
    for _ in range(TOP_K):
        gkey, sub = jax.random.split(gkey)
        weights = gumbel_softmax_hard(sub, current_similarity, TAU)  # [B, pool_size]
        # [B, P, 1, 1] * [1, P, L, D] -> sum over P -> [B, L, D]
        a_selected_prompt = jnp.sum(weights[:, :, None, None] * prompt[None, :, :, :], axis=1)
        selected_prompts.append(a_selected_prompt)
        # training=True path: subtractive masking
        current_similarity = current_similarity - weights * 1000.0
    batched_prompt = jnp.concatenate(selected_prompts, axis=1)  # [B, TOP_K*L, D]
    return batched_prompt

if __name__ == "__main__":
    import jax
    _d = setup_inputs()
    print(jax.jit(kernel)(*tuple(_d.values())))

</pallas_src>

<mosaic_0001>
#map = affine_map<(d0, d1) -> (0, 0)>
#map1 = affine_map<(d0, d1) -> (0, 0, 0)>
module attributes {stable_mosaic.version = 14 : i64} {
  func.func @_gather(%arg0: i32, %arg1: i32, %arg2: memref<4x128xi32, #tpu.memory_space<hbm>>, %arg3: memref<1024x8x768xf32, #tpu.memory_space<hbm>>, %arg4: memref<16x8x768xf32, #tpu.memory_space<hbm>>, %arg5: memref<1xi32, #tpu.memory_space<vmem>>, %arg6: memref<1x8x768xf32, #tpu.memory_space<vmem>>, %arg7: memref<!tpu.dma_semaphore, #tpu.memory_space<semaphore_mem>>) attributes {dimension_semantics = [#tpu.dimension_semantics<core_parallel>, #tpu.dimension_semantics<subcore_parallel>], iteration_bounds = array<i64: 2, 16>, scalar_prefetch = 0 : i64, scratch_operands = 3 : i64, tpu.core_type = #tpu.core_type<sc_vector_subcore>, window_params = [{transform_indices = #map}, {transform_indices = #map1}, {transform_indices = #map1}]} {
    %mul3A = arith.constant 2 : i32
    %mul3A_0 = arith.muli %arg1, %mul3A : i32
    %add3A = arith.addi %mul3A_0, %arg0 : i32
    %lt3A = arith.constant 16 : i32
    %lt3A_1 = arith.cmpi slt, %add3A, %lt3A : i32
    %convert_element_type3A = arith.extui %lt3A_1 : i1 to i32
    %cond3A = arith.constant 0 : i32
    %cond3A_2 = arith.cmpi ne, %convert_element_type3A, %cond3A : i32
    scf.if %cond3A_2 {
      %jit3A = arith.constant 4 : i32
      %div3A = arith.divsi %add3A, %jit3A : i32
      %sign3A = arith.constant 0 : i32
      %sign3A_3 = arith.cmpi sgt, %add3A, %sign3A : i32
      %sign3A_4 = arith.extui %sign3A_3 : i1 to i32
      %sign3A_5 = arith.constant 0 : i32
      %sign3A_6 = arith.cmpi slt, %add3A, %sign3A_5 : i32
      %sign3A_7 = arith.extui %sign3A_6 : i1 to i32
      %sign3A_8 = arith.subi %sign3A_4, %sign3A_7 : i32
      %sign3A_9 = arith.constant 0 : i32
      %sign3A_10 = arith.cmpi sgt, %jit3A, %sign3A_9 : i32
      %sign3A_11 = arith.extui %sign3A_10 : i1 to i32
      %sign3A_12 = arith.constant 0 : i32
      %sign3A_13 = arith.cmpi slt, %jit3A, %sign3A_12 : i32
      %sign3A_14 = arith.extui %sign3A_13 : i1 to i32
      %sign3A_15 = arith.subi %sign3A_11, %sign3A_14 : i32
      %ne3A = arith.cmpi ne, %sign3A_8, %sign3A_15 : i32
      %rem3A = arith.remsi %add3A, %jit3A : i32
      %ne3A_16 = arith.constant 0 : i32
      %ne3A_17 = arith.cmpi ne, %rem3A, %ne3A_16 : i32
      %and3A = arith.andi %ne3A, %ne3A_17 : i1
      %sub3A = arith.constant 1 : i32
      %sub3A_18 = arith.subi %div3A, %sub3A : i32
      %select_n3A = arith.select %and3A, %sub3A_18, %div3A : i32
      %jit3A_19 = arith.constant 4 : i32
      %eq3A = arith.constant 0 : i32
      %eq3A_20 = arith.cmpi eq, %jit3A_19, %eq3A : i32
      %jit3A_21 = arith.constant 1 : i32
      %select_n3A_22 = arith.select %eq3A_20, %jit3A_21, %jit3A_19 : i32
      %rem3A_23 = arith.remsi %add3A, %select_n3A_22 : i32
      %ne3A_24 = arith.constant 0 : i32
      %ne3A_25 = arith.cmpi ne, %rem3A_23, %ne3A_24 : i32
      %lt3A_26 = arith.constant 0 : i32
      %lt3A_27 = arith.cmpi slt, %rem3A_23, %lt3A_26 : i32
      %lt3A_28 = arith.constant 0 : i32
      %lt3A_29 = arith.cmpi slt, %select_n3A_22, %lt3A_28 : i32
      %ne3A_30 = arith.xori %lt3A_27, %lt3A_29 : i1
      %and3A_31 = arith.andi %ne3A_30, %ne3A_25 : i1
      %add3A_32 = arith.addi %rem3A_23, %select_n3A_22 : i32
      %select_n3A_33 = arith.select %and3A_31, %add3A_32, %rem3A_23 : i32
      %mul3A_34 = arith.constant 8 : i32
      %mul3A_35 = arith.muli %mul3A_34, %select_n3A_33 : i32
      "tpu.region"() ({
        %run_scoped3A = tpu.sem_alloc : memref<!tpu.dma_semaphore, #tpu.memory_space<semaphore_mem>>
        %dma_start3A_42 = tpu.memref_slice %arg2[%select_n3A, %mul3A_35] : memref<4x128xi32, #tpu.memory_space<hbm>> -> memref<1x1xi32, #tpu.memory_space<hbm>>
        %dma_start3A_43 = tpu.memref_squeeze %dma_start3A_42 : memref<1x1xi32, #tpu.memory_space<hbm>> -> memref<1xi32, #tpu.memory_space<hbm>>
        %dma_start3A_44 = tpu.memref_slice %arg2[%select_n3A, %mul3A_35] : memref<4x128xi32, #tpu.memory_space<hbm>> -> memref<1x1xi32, #tpu.memory_space<hbm>>
        %dma_start3A_45 = tpu.memref_squeeze %dma_start3A_44 : memref<1x1xi32, #tpu.memory_space<hbm>> -> memref<1xi32, #tpu.memory_space<hbm>>
        tpu.enqueue_dma source(%dma_start3A_45 : memref<1xi32, #tpu.memory_space<hbm>>) target(%arg5 : memref<1xi32, #tpu.memory_space<vmem>>) target_semaphore(%run_scoped3A : memref<!tpu.dma_semaphore, #tpu.memory_space<semaphore_mem>>)
        %dma_wait3A_46 = tpu.memref_slice %arg2[%select_n3A, %mul3A_35] : memref<4x128xi32, #tpu.memory_space<hbm>> -> memref<1x1xi32, #tpu.memory_space<hbm>>
        %dma_wait3A_47 = tpu.memref_squeeze %dma_wait3A_46 : memref<1x1xi32, #tpu.memory_space<hbm>> -> memref<1xi32, #tpu.memory_space<hbm>>
        %dma_wait3A_48 = tpu.memref_slice %arg2[%select_n3A, %mul3A_35] : memref<4x128xi32, #tpu.memory_space<hbm>> -> memref<1x1xi32, #tpu.memory_space<hbm>>
        %dma_wait3A_49 = tpu.memref_squeeze %dma_wait3A_48 : memref<1x1xi32, #tpu.memory_space<hbm>> -> memref<1xi32, #tpu.memory_space<hbm>>
        tpu.wait_dma2 semaphore(%run_scoped3A : memref<!tpu.dma_semaphore, #tpu.memory_space<semaphore_mem>>) src(%dma_wait3A_49 : memref<1xi32, #tpu.memory_space<hbm>>) dst(%arg5 : memref<1xi32, #tpu.memory_space<vmem>>)
        tpu.yield
      }) : () -> ()
      %dma_start3A = arith.constant 0 : i32
      %dma_start3A_36 = arith.constant 0 : i32
      %dma_start3A_37 = arith.constant 0 : i32
      %dma_start3A_38 = tpu.memref_slice %arg3[%dma_start3A, %dma_start3A_36, %dma_start3A_37] : memref<1024x8x768xf32, #tpu.memory_space<hbm>> -> memref<1024x8x768xf32, #tpu.memory_space<hbm>>
      tpu.enqueue_indirect_dma source(%dma_start3A_38 : memref<1024x8x768xf32, #tpu.memory_space<hbm>>) target(%arg6 : memref<1x8x768xf32, #tpu.memory_space<vmem>>) offsets(%arg5 : memref<1xi32, #tpu.memory_space<vmem>>) semaphore(%arg7 : memref<!tpu.dma_semaphore, #tpu.memory_space<semaphore_mem>>)
      %dma_wait3A = arith.constant 0 : i32
      %dma_wait3A_39 = arith.constant 0 : i32
      %dma_wait3A_40 = arith.constant 0 : i32
      %dma_wait3A_41 = tpu.memref_slice %arg3[%dma_wait3A, %dma_wait3A_39, %dma_wait3A_40] : memref<1024x8x768xf32, #tpu.memory_space<hbm>> -> memref<1024x8x768xf32, #tpu.memory_space<hbm>>
      tpu.wait_indirect_dma semaphore(%arg7 : memref<!tpu.dma_semaphore, #tpu.memory_space<semaphore_mem>>) src(%dma_wait3A_41 : memref<1024x8x768xf32, #tpu.memory_space<hbm>>) dst(%arg6 : memref<1x8x768xf32, #tpu.memory_space<vmem>>)
      "tpu.region"() ({
        %run_scoped3A = tpu.sem_alloc : memref<!tpu.dma_semaphore, #tpu.memory_space<semaphore_mem>>
        %dma_start3A_42 = arith.constant 0 : i32
        %dma_start3A_43 = arith.constant 0 : i32
        %dma_start3A_44 = tpu.memref_slice %arg4[%add3A, %dma_start3A_42, %dma_start3A_43] : memref<16x8x768xf32, #tpu.memory_space<hbm>> -> memref<1x8x768xf32, #tpu.memory_space<hbm>>
        %dma_start3A_45 = arith.constant 0 : i32
        %dma_start3A_46 = arith.constant 0 : i32
        %dma_start3A_47 = tpu.memref_slice %arg4[%add3A, %dma_start3A_45, %dma_start3A_46] : memref<16x8x768xf32, #tpu.memory_space<hbm>> -> memref<1x8x768xf32, #tpu.memory_space<hbm>>
        tpu.enqueue_dma source(%arg6 : memref<1x8x768xf32, #tpu.memory_space<vmem>>) target(%dma_start3A_47 : memref<1x8x768xf32, #tpu.memory_space<hbm>>) target_semaphore(%run_scoped3A : memref<!tpu.dma_semaphore, #tpu.memory_space<semaphore_mem>>)
        %dma_wait3A_48 = arith.constant 0 : i32
        %dma_wait3A_49 = arith.constant 0 : i32
        %dma_wait3A_50 = tpu.memref_slice %arg4[%add3A, %dma_wait3A_48, %dma_wait3A_49] : memref<16x8x768xf32, #tpu.memory_space<hbm>> -> memref<1x8x768xf32, #tpu.memory_space<hbm>>
        %dma_wait3A_51 = arith.constant 0 : i32
        %dma_wait3A_52 = arith.constant 0 : i32
        %dma_wait3A_53 = tpu.memref_slice %arg4[%add3A, %dma_wait3A_51, %dma_wait3A_52] : memref<16x8x768xf32, #tpu.memory_space<hbm>> -> memref<1x8x768xf32, #tpu.memory_space<hbm>>
        tpu.wait_dma2 semaphore(%run_scoped3A : memref<!tpu.dma_semaphore, #tpu.memory_space<semaphore_mem>>) src(%arg6 : memref<1x8x768xf32, #tpu.memory_space<vmem>>) dst(%dma_wait3A_53 : memref<1x8x768xf32, #tpu.memory_space<hbm>>)
        tpu.yield
      }) : () -> ()
    } else {
    }
    return
  }
}

module attributes {stable_mosaic.version = 14 : i64} {
  func.func @_select_body(%arg0: memref<4x768xf32, #tpu.memory_space<vmem>>, %arg1: memref<1024x768xf32, #tpu.memory_space<vmem>>, %arg2: memref<16x1024xf32, #tpu.memory_space<vmem>>, %arg3: memref<4x128xi32, #tpu.memory_space<vmem>>) attributes {dimension_semantics = [], scalar_prefetch = 0 : i64, scratch_operands = 0 : i64, tpu.core_type = #tpu.core_type<tc>} {
    %get3A = arith.constant 0 : index
    %get3A_0 = arith.constant 0 : index
    %get3A_1 = vector.load %arg0[%get3A, %get3A_0] : memref<4x768xf32, #tpu.memory_space<vmem>>, vector<4x768xf32>
    %get3A_2 = arith.constant 0 : index
    %get3A_3 = arith.constant 0 : index
    %get3A_4 = vector.load %arg1[%get3A_2, %get3A_3] : memref<1024x768xf32, #tpu.memory_space<vmem>>, vector<1024x768xf32>
    %mul3A = arith.mulf %get3A_1, %get3A_1 : vector<4x768xf32>
    %reduce_sum3A = arith.constant dense<0.000000e+00> : vector<4xf32>
    %reduce_sum3A_5 = vector.multi_reduction <add>, %mul3A, %reduce_sum3A [1] : vector<4x768xf32> to vector<4xf32>
    %broadcast_in_dim3A = vector.shape_cast %reduce_sum3A_5 : vector<4xf32> to vector<4x1xf32>
    %max3A = arith.constant 9.99999996E-13 : f32
    %max3A_6 = vector.broadcast %max3A : f32 to vector<4x1xf32>
    %max3A_7 = arith.maximumf %broadcast_in_dim3A, %max3A_6 : vector<4x1xf32>
    %rsqrt3A = math.rsqrt %max3A_7 : vector<4x1xf32>
    %mul3A_8 = vector.broadcast %rsqrt3A : vector<4x1xf32> to vector<4x768xf32>
    %mul3A_9 = arith.mulf %get3A_1, %mul3A_8 : vector<4x768xf32>
    %mul3A_10 = arith.mulf %get3A_4, %get3A_4 : vector<1024x768xf32>
    %reduce_sum3A_11 = arith.constant dense<0.000000e+00> : vector<1024xf32>
    %reduce_sum3A_12 = vector.multi_reduction <add>, %mul3A_10, %reduce_sum3A_11 [1] : vector<1024x768xf32> to vector<1024xf32>
    %broadcast_in_dim3A_13 = vector.shape_cast %reduce_sum3A_12 : vector<1024xf32> to vector<1024x1xf32>
    %max3A_14 = arith.constant 9.99999996E-13 : f32
    %max3A_15 = vector.broadcast %max3A_14 : f32 to vector<1024x1xf32>
    %max3A_16 = arith.maximumf %broadcast_in_dim3A_13, %max3A_15 : vector<1024x1xf32>
    %rsqrt3A_17 = math.rsqrt %max3A_16 : vector<1024x1xf32>
    %mul3A_18 = vector.broadcast %rsqrt3A_17 : vector<1024x1xf32> to vector<1024x768xf32>
    %mul3A_19 = arith.mulf %get3A_4, %mul3A_18 : vector<1024x768xf32>
    %dot_general3A = arith.constant dense<0.000000e+00> : vector<4x1024xf32>
    %dot_general3A_20 = tpu.matmul %mul3A_9, %mul3A_19, %dot_general3A {dimension_numbers = #tpu.dot_dimension_numbers<[1], [1], [0], [0], [0, 0, 1, 0], [], []>, precision = #tpu.contract_precision<fp32>, transpose_lhs_hint = false} : vector<4x768xf32>, vector<1024x768xf32>, vector<4x1024xf32> -> vector<4x1024xf32>
    %iota3A = tpu.iota {dimensions = array<i32: 1>} : vector<4x1024xi32>
    %iota3A_21 = tpu.iota {dimensions = array<i32: 1>} : vector<4x128xi32>
    %broadcast_in_dim3A_22 = arith.constant 0 : i32
    %broadcast_in_dim3A_23 = vector.broadcast %broadcast_in_dim3A_22 : i32 to vector<4x128xi32>
    %get3A_24 = arith.constant 0 : index
    %get3A_25 = arith.constant 0 : index
    %get3A_26 = vector.load %arg2[%get3A_24, %get3A_25] : memref<16x1024xf32, #tpu.memory_space<vmem>>, vector<4x1024xf32>
    %add3A = arith.addf %dot_general3A_20, %get3A_26 : vector<4x1024xf32>
    %reduce_max3A = arith.constant dense<0xFF800000> : vector<4xf32>
    %reduce_max3A_27 = vector.multi_reduction <maximumf>, %add3A, %reduce_max3A [1] : vector<4x1024xf32> to vector<4xf32>
    %broadcast_in_dim3A_28 = vector.shape_cast %reduce_max3A_27 : vector<4xf32> to vector<4x1xf32>
    %ge3A = vector.broadcast %broadcast_in_dim3A_28 : vector<4x1xf32> to vector<4x1024xf32>
    %ge3A_29 = arith.cmpf oge, %add3A, %ge3A : vector<4x1024xf32>
    %jit3A = arith.constant 1024 : i32
    %broadcast_in_dim3A_30 = vector.broadcast %jit3A : i32 to vector<4x1024xi32>
    %select_n3A = arith.select %ge3A_29, %iota3A, %broadcast_in_dim3A_30 : vector<4x1024xi1>, vector<4x1024xi32>
    %reduce_min3A = arith.constant dense<2147483647> : vector<4xi32>
    %reduce_min3A_31 = vector.multi_reduction <minsi>, %select_n3A, %reduce_min3A [1] : vector<4x1024xi32> to vector<4xi32>
    %broadcast_in_dim3A_32 = vector.shape_cast %reduce_min3A_31 : vector<4xi32> to vector<4x1xi32>
    %eq3A = arith.constant 0 : i32
    %eq3A_33 = vector.broadcast %eq3A : i32 to vector<4x128xi32>
    %eq3A_34 = arith.cmpi eq, %iota3A_21, %eq3A_33 : vector<4x128xi32>
    %jit3A_35 = arith.constant 0 : i32
    %broadcast_in_dim3A_36 = vector.shape_cast %broadcast_in_dim3A_32 : vector<4x1xi32> to vector<4x1xi32>
    %broadcast_in_dim3A_37 = vector.broadcast %broadcast_in_dim3A_36 : vector<4x1xi32> to vector<4x128xi32>
    %broadcast_in_dim3A_38 = vector.broadcast %jit3A_35 : i32 to vector<4x128xi32>
    %select_n3A_39 = arith.select %eq3A_34, %broadcast_in_dim3A_37, %broadcast_in_dim3A_38 : vector<4x128xi1>, vector<4x128xi32>
    %add3A_40 = arith.addi %broadcast_in_dim3A_23, %select_n3A_39 : vector<4x128xi32>
    %eq3A_41 = vector.broadcast %broadcast_in_dim3A_32 : vector<4x1xi32> to vector<4x1024xi32>
    %eq3A_42 = arith.cmpi eq, %iota3A, %eq3A_41 : vector<4x1024xi32>
    %sub3A = arith.constant 1.000000e+03 : f32
    %sub3A_43 = vector.broadcast %sub3A : f32 to vector<4x1024xf32>
    %sub3A_44 = arith.subf %dot_general3A_20, %sub3A_43 : vector<4x1024xf32>
    %select_n3A_45 = arith.select %eq3A_42, %sub3A_44, %dot_general3A_20 : vector<4x1024xi1>, vector<4x1024xf32>
    %get3A_46 = arith.constant 4 : index
    %get3A_47 = arith.constant 0 : index
    %get3A_48 = vector.load %arg2[%get3A_46, %get3A_47] : memref<16x1024xf32, #tpu.memory_space<vmem>>, vector<4x1024xf32>
    %add3A_49 = arith.addf %select_n3A_45, %get3A_48 : vector<4x1024xf32>
    %reduce_max3A_50 = arith.constant dense<0xFF800000> : vector<4xf32>
    %reduce_max3A_51 = vector.multi_reduction <maximumf>, %add3A_49, %reduce_max3A_50 [1] : vector<4x1024xf32> to vector<4xf32>
    %broadcast_in_dim3A_52 = vector.shape_cast %reduce_max3A_51 : vector<4xf32> to vector<4x1xf32>
    %ge3A_53 = vector.broadcast %broadcast_in_dim3A_52 : vector<4x1xf32> to vector<4x1024xf32>
    %ge3A_54 = arith.cmpf oge, %add3A_49, %ge3A_53 : vector<4x1024xf32>
    %jit3A_55 = arith.constant 1024 : i32
    %broadcast_in_dim3A_56 = vector.broadcast %jit3A_55 : i32 to vector<4x1024xi32>
    %select_n3A_57 = arith.select %ge3A_54, %iota3A, %broadcast_in_dim3A_56 : vector<4x1024xi1>, vector<4x1024xi32>
    %reduce_min3A_58 = arith.constant dense<2147483647> : vector<4xi32>
    %reduce_min3A_59 = vector.multi_reduction <minsi>, %select_n3A_57, %reduce_min3A_58 [1] : vector<4x1024xi32> to vector<4xi32>
    %broadcast_in_dim3A_60 = vector.shape_cast %reduce_min3A_59 : vector<4xi32> to vector<4x1xi32>
    %eq3A_61 = arith.constant 8 : i32
    %eq3A_62 = vector.broadcast %eq3A_61 : i32 to vector<4x128xi32>
    %eq3A_63 = arith.cmpi eq, %iota3A_21, %eq3A_62 : vector<4x128xi32>
    %jit3A_64 = arith.constant 0 : i32
    %broadcast_in_dim3A_65 = vector.shape_cast %broadcast_in_dim3A_60 : vector<4x1xi32> to vector<4x1xi32>
    %broadcast_in_dim3A_66 = vector.broadcast %broadcast_in_dim3A_65 : vector<4x1xi32> to vector<4x128xi32>
    %broadcast_in_dim3A_67 = vector.broadcast %jit3A_64 : i32 to vector<4x128xi32>
    %select_n3A_68 = arith.select %eq3A_63, %broadcast_in_dim3A_66, %broadcast_in_dim3A_67 : vector<4x128xi1>, vector<4x128xi32>
    %add3A_69 = arith.addi %add3A_40, %select_n3A_68 : vector<4x128xi32>
    %eq3A_70 = vector.broadcast %broadcast_in_dim3A_60 : vector<4x1xi32> to vector<4x1024xi32>
    %eq3A_71 = arith.cmpi eq, %iota3A, %eq3A_70 : vector<4x1024xi32>
    %sub3A_72 = arith.constant 1.000000e+03 : f32
    %sub3A_73 = vector.broadcast %sub3A_72 : f32 to vector<4x1024xf32>
    %sub3A_74 = arith.subf %select_n3A_45, %sub3A_73 : vector<4x1024xf32>
    %select_n3A_75 = arith.select %eq3A_71, %sub3A_74, %select_n3A_45 : vector<4x1024xi1>, vector<4x1024xf32>
    %get3A_76 = arith.constant 8 : index
    %get3A_77 = arith.constant 0 : index
    %get3A_78 = vector.load %arg2[%get3A_76, %get3A_77] : memref<16x1024xf32, #tpu.memory_space<vmem>>, vector<4x1024xf32>
    %add3A_79 = arith.addf %select_n3A_75, %get3A_78 : vector<4x1024xf32>
    %reduce_max3A_80 = arith.constant dense<0xFF800000> : vector<4xf32>
    %reduce_max3A_81 = vector.multi_reduction <maximumf>, %add3A_79, %reduce_max3A_80 [1] : vector<4x1024xf32> to vector<4xf32>
    %broadcast_in_dim3A_82 = vector.shape_cast %reduce_max3A_81 : vector<4xf32> to vector<4x1xf32>
    %ge3A_83 = vector.broadcast %broadcast_in_dim3A_82 : vector<4x1xf32> to vector<4x1024xf32>
    %ge3A_84 = arith.cmpf oge, %add3A_79, %ge3A_83 : vector<4x1024xf32>
    %jit3A_85 = arith.constant 1024 : i32
    %broadcast_in_dim3A_86 = vector.broadcast %jit3A_85 : i32 to vector<4x1024xi32>
    %select_n3A_87 = arith.select %ge3A_84, %iota3A, %broadcast_in_dim3A_86 : vector<4x1024xi1>, vector<4x1024xi32>
    %reduce_min3A_88 = arith.constant dense<2147483647> : vector<4xi32>
    %reduce_min3A_89 = vector.multi_reduction <minsi>, %select_n3A_87, %reduce_min3A_88 [1] : vector<4x1024xi32> to vector<4xi32>
    %broadcast_in_dim3A_90 = vector.shape_cast %reduce_min3A_89 : vector<4xi32> to vector<4x1xi32>
    %eq3A_91 = arith.constant 16 : i32
    %eq3A_92 = vector.broadcast %eq3A_91 : i32 to vector<4x128xi32>
    %eq3A_93 = arith.cmpi eq, %iota3A_21, %eq3A_92 : vector<4x128xi32>
    %jit3A_94 = arith.constant 0 : i32
    %broadcast_in_dim3A_95 = vector.shape_cast %broadcast_in_dim3A_90 : vector<4x1xi32> to vector<4x1xi32>
    %broadcast_in_dim3A_96 = vector.broadcast %broadcast_in_dim3A_95 : vector<4x1xi32> to vector<4x128xi32>
    %broadcast_in_dim3A_97 = vector.broadcast %jit3A_94 : i32 to vector<4x128xi32>
    %select_n3A_98 = arith.select %eq3A_93, %broadcast_in_dim3A_96, %broadcast_in_dim3A_97 : vector<4x128xi1>, vector<4x128xi32>
    %add3A_99 = arith.addi %add3A_69, %select_n3A_98 : vector<4x128xi32>
    %eq3A_100 = vector.broadcast %broadcast_in_dim3A_90 : vector<4x1xi32> to vector<4x1024xi32>
    %eq3A_101 = arith.cmpi eq, %iota3A, %eq3A_100 : vector<4x1024xi32>
    %sub3A_102 = arith.constant 1.000000e+03 : f32
    %sub3A_103 = vector.broadcast %sub3A_102 : f32 to vector<4x1024xf32>
    %sub3A_104 = arith.subf %select_n3A_75, %sub3A_103 : vector<4x1024xf32>
    %select_n3A_105 = arith.select %eq3A_101, %sub3A_104, %select_n3A_75 : vector<4x1024xi1>, vector<4x1024xf32>
    %get3A_106 = arith.constant 12 : index
    %get3A_107 = arith.constant 0 : index
    %get3A_108 = vector.load %arg2[%get3A_106, %get3A_107] : memref<16x1024xf32, #tpu.memory_space<vmem>>, vector<4x1024xf32>
    %add3A_109 = arith.addf %select_n3A_105, %get3A_108 : vector<4x1024xf32>
    %reduce_max3A_110 = arith.constant dense<0xFF800000> : vector<4xf32>
    %reduce_max3A_111 = vector.multi_reduction <maximumf>, %add3A_109, %reduce_max3A_110 [1] : vector<4x1024xf32> to vector<4xf32>
    %broadcast_in_dim3A_112 = vector.shape_cast %reduce_max3A_111 : vector<4xf32> to vector<4x1xf32>
    %ge3A_113 = vector.broadcast %broadcast_in_dim3A_112 : vector<4x1xf32> to vector<4x1024xf32>
    %ge3A_114 = arith.cmpf oge, %add3A_109, %ge3A_113 : vector<4x1024xf32>
    %jit3A_115 = arith.constant 1024 : i32
    %broadcast_in_dim3A_116 = vector.broadcast %jit3A_115 : i32 to vector<4x1024xi32>
    %select_n3A_117 = arith.select %ge3A_114, %iota3A, %broadcast_in_dim3A_116 : vector<4x1024xi1>, vector<4x1024xi32>
    %reduce_min3A_118 = arith.constant dense<2147483647> : vector<4xi32>
    %reduce_min3A_119 = vector.multi_reduction <minsi>, %select_n3A_117, %reduce_min3A_118 [1] : vector<4x1024xi32> to vector<4xi32>
    %broadcast_in_dim3A_120 = vector.shape_cast %reduce_min3A_119 : vector<4xi32> to vector<4x1xi32>
    %eq3A_121 = arith.constant 24 : i32
    %eq3A_122 = vector.broadcast %eq3A_121 : i32 to vector<4x128xi32>
    %eq3A_123 = arith.cmpi eq, %iota3A_21, %eq3A_122 : vector<4x128xi32>
    %jit3A_124 = arith.constant 0 : i32
    %broadcast_in_dim3A_125 = vector.shape_cast %broadcast_in_dim3A_120 : vector<4x1xi32> to vector<4x1xi32>
    %broadcast_in_dim3A_126 = vector.broadcast %broadcast_in_dim3A_125 : vector<4x1xi32> to vector<4x128xi32>
    %broadcast_in_dim3A_127 = vector.broadcast %jit3A_124 : i32 to vector<4x128xi32>
    %select_n3A_128 = arith.select %eq3A_123, %broadcast_in_dim3A_126, %broadcast_in_dim3A_127 : vector<4x128xi1>, vector<4x128xi32>
    %add3A_129 = arith.addi %add3A_99, %select_n3A_128 : vector<4x128xi32>
    %swap3A = arith.constant 0 : index
    %swap3A_130 = arith.constant 0 : index
    %swap3A_131 = vector.load %arg3[%swap3A, %swap3A_130] : memref<4x128xi32, #tpu.memory_space<vmem>>, vector<4x128xi32>
    tpu.vector_store %arg3[%swap3A, %swap3A_130], %add3A_129 {strides = array<i32>} : memref<4x128xi32, #tpu.memory_space<vmem>>, vector<4x128xi32>,
    return
  }
}

</mosaic_0001>

<sc_bundles>
// kernel: kernel.4.cloned.1.call-start
scs
__scs_entry_jumppad:
0x0: {  	(pc) =	sbr.rel $0x88, $3  }
0x1: {  	(tag) =	ssettag $0x0;
	lr =	simm.s32 $0x1  }
0x2: {  	[smem:$0x3F9E] =	sst lr;
	_ =	strace $0xD0000000  }
0x3: {  	_ = 	snop  }
0x4: {  	_ = 	snop  }
0x5: {  	_ = 	snop  }
0x6: {  	_ = 	snop  }
0x7: {  	_ = 	snop  }
__scs_overlays_trampoline_lowered:
0x8: {  	[smem:$0x3FAD] =	sst s0  }
0x9: {  	[smem:$0x3FAE] =	sst s1  }
0xa: {  	[smem:$0x3FAF] =	sst s2  }
0xb: {  	[smem:$0x3FB0] =	sst s3  }
0xc: {  	[smem:$0x3FB1] =	sst s4  }
0xd: {  	[smem:$0x3FB2] =	sst s5  }
0xe: {  	[smem:$0x3FB3] =	sst s6  }
0xf: {  	[smem:$0x3FB4] =	sst s7  }
0x10: {  	[smem:$0x3FB5] =	sst s8  }
0x11: {  	[smem:$0x3FB6] =	sst s9;
	s0 =	simm.s32 @!p0 $0x0  }
0x12: {  	s1 =	sld [smem:$0x3F9C];
	s0 =	simm.s32 @p0 $0x1  }
0x13: {  	[smem:$0x3FB7] =	sst s0;
	s0 =	simm.s32 @!p1 $0x0  }
0x14: {  	s2 =	sld [smem:$0x3F9B];
	s0 =	simm.s32 @p1 $0x1  }
0x15: {  	[smem:$0x3FB8] =	sst s0;
	s0 =	simm.s32 @!p2 $0x0  }
0x16: {  	s3 =	sld [smem:$0x3FDB];
	s0 =	simm.s32 @p2 $0x1  }
0x17: {  	s4 =	simm.s32 $0x1BF5;
	[smem:$0x3FBA] =	sst s0  }
0x18: {  	s0 =	sld [smem:$0x3F9D];
	_ =	swait.ge [sflag:s4], $0x0  }
0x19: {  	s7 =	sld [smem:$0x3F9E]  }
0x1a: {  	s8 =	sadd.s32 $0xFFFFE003, lr  }
0x1b: {  	s9 =	sadd.s32 $0xFFFFFEF7, lr;
	s5 =	simm.s32 $0xFFFFFFFF;
	p2 =	slt.u32 s8, $0xFFFFF086  }
0x1c: {  	p1 =	slt.u32 s9, $0xF7A;
	s5 =	simm.s32 @!p2 $0x0  }
0x1d: {  	s5 =	simm.s32 @p1 $0x1;
	p0 =	seq.s32 s7, s2  }
0x1e: {  	s7 =	smul.u32 @!p0 $0xF7A, s2;
	p2 =	seq.s32 @!p0 s5, $0x0  }
0x1f: {  	s9 =	smul.u32 $0xF7A, s1;
	s8 =	simm.s32 @!p0 $0x1BF5;
	p2 =	por !p2, p0  }
0x20: {  	[sflag:s8] =	ssyncset.s32 @!p0 $0xFFFFF086;
	s6 =	sadd.s32 @!p0 s3, s7;
	s7 =	simm.s32 @!p0 $0x108  }
0x21: {  	s3 =	sadd.s32 s3, s9;
	s6 =	sadd.s32 @!p0 $0x88, s6;
	s7 =	simm.s32 @p2 $0x1082  }
0x22: {  	[simem:s7], [sflag:s8] =	dma.local @!p0 [hbm:s6], $0xF7A  }
0x23: {  	s9 =	sor.u32 $0xD0000000, s2;
	s6 =	simm.s32 $0x108;
	_ =	swait.ge @!p0 [sflag:s8], $0x0  }
0x24: {  	s3 =	sadd.s32 $0x88, s3;
	s6 =	simm.s32 @!p1 $0x1082;
	[sflag:s4] =	ssyncset.s32 $0xFFFFF086  }
0x25: {  	[simem:s6], [sflag:s4] =	dma.local [hbm:s3], $0xF7A  }
0x26: {  	[smem:$0x3F9E] =	sst s1;
	(tag) =	ssettag s2;
	_ =	strace s9  }
0x27: {  	s1 =	sld [smem:$0x3FAE]  }
0x28: {  	s2 =	sld [smem:$0x3FAF]  }
0x29: {  	s4 =	sld [smem:$0x3FB1]  }
0x2a: {  	p0 =	seq.s32 s5, $0x0;
	s5 =	sld [smem:$0x3FB2]  }
0x2b: {  	s6 =	sld [smem:$0x3FB3]  }
0x2c: {  	s7 =	sld [smem:$0x3FB4]  }
0x2d: {  	s3 =	simm.s32 $0x108;
	s8 =	sld [smem:$0x3FB5]  }
0x2e: {  	s3 =	simm.s32 @!p0 $0x1082;
	s9 =	sld [smem:$0x3FB6]  }
0x2f: {  	lr =	sadd.s32 s0, s3;
	s0 =	sld [smem:$0x3FAD]  }
0x30: {  	s3 =	sld [smem:$0x3FB0]  }
0x31: {  	[smem:$0x3FB9] =	sst s10  }
0x32: {  	s10 =	sld [smem:$0x3FB7];
	_ =	sdelay $0x3  }
0x33: {  	p0 =	seq.s32 s10, $0x1;
	s10 =	sld [smem:$0x3FB9];
	_ =	sdelay $0x3  }
0x34: {  	[smem:$0x3FB9] =	sst s10  }
0x35: {  	s10 =	sld [smem:$0x3FB8];
	_ =	sdelay $0x3  }
0x36: {  	p1 =	seq.s32 s10, $0x1;
	s10 =	sld [smem:$0x3FB9];
	_ =	sdelay $0x3  }
0x37: {  	[smem:$0x3FB9] =	sst s10  }
0x38: {  	s10 =	sld [smem:$0x3FBA]  }
0x39: {  	_ = 	snop;
	(pc) =	sbr.ind lr, $3  }
0x3a: {  	_ = 	snop  }
0x3b: {  	_ = 	snop  }
0x3c: {  	p2 =	seq.s32 s10, $0x1;
	s10 =	sld [smem:$0x3FB9]  }
0x3d: {  	_ =	shalt  }
0x3e: {  	_ =	shalt  }
0x3f: {  	_ =	shalt  }
0x40: {  	_ =	shalt  }
0x41: {  	_ =	shalt  }
0x42: {  	_ =	shalt  }
0x43: {  	_ =	shalt  }
0x44: {  	_ =	shalt  }
0x45: {  	_ =	shalt  }
0x46: {  	_ =	shalt  }
0x47: {  	_ =	shalt  }
0x48: {  	_ =	shalt  }
0x49: {  	_ =	shalt  }
0x4a: {  	_ =	shalt  }
0x4b: {  	_ =	shalt  }
0x4c: {  	_ =	shalt  }
0x4d: {  	_ =	shalt  }
0x4e: {  	_ =	shalt  }
0x4f: {  	_ =	shalt  }
0x50: {  	_ =	shalt  }
0x51: {  	_ =	shalt  }
0x52: {  	_ =	shalt  }
0x53: {  	_ =	shalt  }
0x54: {  	_ =	shalt  }
0x55: {  	_ =	shalt  }
0x56: {  	_ =	shalt  }
0x57: {  	_ =	shalt  }
0x58: {  	_ =	shalt  }
0x59: {  	_ =	shalt  }
0x5a: {  	_ =	shalt  }
0x5b: {  	_ =	shalt  }
0x5c: {  	_ =	shalt  }
0x5d: {  	_ =	shalt  }
0x5e: {  	_ =	shalt  }
0x5f: {  	_ =	shalt  }
0x60: {  	_ =	shalt  }
0x61: {  	_ =	shalt  }
0x62: {  	_ =	shalt  }
0x63: {  	_ =	shalt  }
0x64: {  	_ =	shalt  }
0x65: {  	_ =	shalt  }
0x66: {  	_ =	shalt  }
0x67: {  	_ =	shalt  }
0x68: {  	_ =	shalt  }
0x69: {  	_ =	shalt  }
0x6a: {  	_ =	shalt  }
0x6b: {  	_ =	shalt  }
0x6c: {  	_ =	shalt  }
0x6d: {  	_ =	shalt  }
0x6e: {  	_ =	shalt  }
0x6f: {  	_ =	shalt  }
0x70: {  	_ =	shalt  }
0x71: {  	_ =	shalt  }
0x72: {  	_ =	shalt  }
0x73: {  	_ =	shalt  }
0x74: {  	_ =	shalt  }
0x75: {  	_ =	shalt  }
0x76: {  	_ =	shalt  }
0x77: {  	_ =	shalt  }
0x78: {  	_ =	shalt  }
0x79: {  	_ =	shalt  }
0x7a: {  	_ =	shalt  }
0x7b: {  	_ =	shalt  }
0x7c: {  	_ =	shalt  }
0x7d: {  	_ =	shalt  }
0x7e: {  	_ =	shalt  }
0x7f: {  	_ =	shalt  }
0x80: {  	_ =	shalt  }
0x81: {  	_ =	shalt  }
0x82: {  	_ =	shalt  }
0x83: {  	_ =	shalt  }
0x84: {  	_ =	shalt  }
0x85: {  	_ =	shalt  }
0x86: {  	_ =	shalt  }
0x87: {  	_ =	shalt  }
.Lfunc_end0:
.L_simem_size_0:
called_computation_lowered:
.L_overlay_start_0:
0x88: {  	s2 =	sld [smem:$0x3FD9]  }
0x89: {  	s3 =	sld [smem:$0x3FFE];
	_ =	sdelay $0x1  }
0x8a: {  	s1 =	srdreg.scid  }
0x8b: {  	s0 =	sand.u32 $0x1, s1  }
0x8c: {  	s17 =	sshll.u32 s0, $0xA;
	s2 =	sadd.s32 s3, s2  }
0x8d: {  	s2 =	sadd.s32 s2, s17  }
0x8e: {  	[smem:$0x3FC5] =	sst s2  }
0x8f: {  	_ = 	snop  }
0x90: {  	s2 =	sld [smem:$0x3FC8]  }
0x91: {  	s18 =	sld [smem:$0x3FD0];
	(tm) =	ssettm $0x1  }
0x92: {  	s4 =	sld [smem:$0x3FFB];
	_ =	sdelay $0x3  }
0x93: {  	_ =	strace s4  }
0x94: {  	s4 =	sld [smem:$0x3FFC];
	_ =	sdelay $0x3  }
0x95: {  	_ =	strace s4  }
0x96: {  	s4 =	sld [smem:$0x3FFD];
	_ =	sdelay $0x3  }
0x97: {  	_ =	strace s4  }
0x98: {  	_ =	strace $0x8FFFFFFF  }
0x99: {  	s19 =	sld [smem:$0x3FDB];
	_ =	sdelay $0x1  }
0x9a: {  	s5 =	simm.s32 $_scs_section_size  }
0x9b: {  	s6 =	simm.s32 $_size__tile_overlayer_lowered;
	s7 =	simm.s32 $_tile_overlayer_lowered  }
0x9c: {  	s22 =	simm.s32 $0x1BFF;
	s21 =	sshll.u32 s7, $0x1;
	s4 =	sadd.s32 s5, s19  }
0x9d: {  	s8 =	simm.s32 $0x0;
	s20 =	sshll.u32 s6, $0x1;
	s6 =	sadd.s32 s21, s4  }
0x9e: {  	[timem:s8], [sflag:s22] =	dma.local [hbm:s6], s20  }
0x9f: {  	_ =	swait.ge [sflag:s22], s20  }
0xa0: {  	s5 =	ssub.s32 $0x0, s20;
	[sflag:s22] =	ssyncset.done $0x0  }
0xa1: {  	[sflag:s22] =	ssyncadd.s32 s5;
	_ =	sdelay $0x1  }
0xa2: {  	s23 =	simm.s32 $0x1B8B  }
0xa3: {  	_ =	swait.ge [sflag:s23], $0x1  }
0xa4: {  	[sflag:s23] =	ssyncset.done $0x0  }
0xa5: {  	s25 =	simm.s32 $0x1B8E;
	s24 =	sld [smem:$0x3FFE];
	[sflag:s23] =	ssyncadd.s32 $0xFFFFFFFF  }
0xa6: {  	s26 =	simm.s32 $execute0_lowered;
	[smem:$0x3FD2] =	sst s25  }
0xa7: {  	s6 =	sshll.u32 s26, $0x1;
	_ =	strace $0x80000046;
	[dreg:$0x1] =	wrdreg $0xFFFFFFFF  }
0xa8: {  	s28 =	simm.s32 $_size_execute0_lowered;
	s4 =	sadd.s32 s4, s6;
	[dreg:$0x0] =	wrdreg $0x0  }
0xa9: {  	s6 =	sshll.u32 s28, $0x1;
	[dreg:$0x2] =	wrdreg s4  }
0xaa: {  	[dreg:$0x3] =	wrdreg s6  }
0xab: {  	[dreg:$0x4] =	wrdreg $0xC0  }
0xac: {  	_ =	task [dreg:s8], $0x5FFFF  }
0xad: {  	[dreg:$0x1] =	wrdreg $0xFFFFFFFF  }
0xae: {  	[dreg:$0x0] =	wrdreg $0x60  }
0xaf: {  	[dreg:$0x2] =	wrdreg s24  }
0xb0: {  	[dreg:$0x3] =	wrdreg s2  }
0xb1: {  	[dreg:$0x4] =	wrdreg s18  }
0xb2: {  	[dreg:$0x5] =	wrdreg $0x9  }
0xb3: {  	_ =	task.clear_ibuf [dreg:s8], $0x6FFFF;
	_ =	strace $0x90000046  }
0xb4: {  	s29 =	simm.s32 $0x9;
	_ =	strace $0x80000048  }
0xb5: {  	_ =	swait.ge [sflag:s29], $0x1  }
0xb6: {  	[sflag:s29] =	ssyncadd.s32 $0xFFFFFFFF  }
0xb7: {  	_ =	strace $0x90000048  }
0xb8: {  	_ =	sfence  }
0xb9: {  	s30 =	sld [smem:$0x0];
	_ =	sdelay $0x2  }
0xba: {  	s31 =	sshll.u32 s1, $0xD;
	s1 =	sshrl.u32 s1, $0x2  }
0xbb: {  	s3 =	sand.u32 $0x4000, s31;
	s1 =	sadd.s32 s1, s30  }
0xbc: {  	s0 =	sor.u32 s3, s0;
	s1 =	sshll.u32 s1, $0x11  }
0xbd: {  	s0 =	sor.u32 s1, s0  }
0xbe: {  	s0 =	sadd.s32 $0x8F2B, s0  }
0xbf: {  	[sflag:s0] =	ssyncadd.remote.s32 $0x1  }
0xc0: {  	_ =	sfence.sel $0xFFFF  }
0xc1: {  	[dreg:$0x0] =	wrdreg $0xFFFFFFFF;
	(pc) =	sbr.abs _section_cstart, $3  }
0xc2: {  	[dreg:$0x1] =	wrdreg $0xFFFFFFFF  }
0xc3: {  	_ =	task.clear_ibuf [dreg:s8], $0x2FFFF;
	_ =	strace $0x9FFFFFFF  }
0xc4: {  	(tm) =	ssettm $0x7FFFFFFF  }
0xc5: {  	_ =	shalt  }
tec
execute0_lowered:
.L_overlay_start_1:
0x0: {  	(tag) =	ssettag $0x1  }
0x1: {  	s1 =	stileid.u32  }
0x2: {  	p0 =	sgt.u32 s1, $0x7  }
.Ltmp0:
0x3: {  	s4 =	rddreg [dreg:$0x0];
	(pc) =	sbr.rel @p0 .LBB2_4-.Ltmp0, $4  }
0x4: {  	s2 =	rddreg [dreg:$0x1]  }
0x5: {  	s8 =	rddreg [dreg:$0x2];
	s3 =	simm.s32 $0x0  }
0x6: {  	[smem:$0x7FF] =	sst s3  }
0x7: {  	s0 =	rddreg [dreg:$0x3];
	_ =	strace $0x80000047  }
0x8: {  	s5 =	srdreg.scid  }
0x9: {  	s28 =	sshll.u32 s1, $0x1;
	s7 =	sshll.u32 s1, $0x3;
	s6 =	sand.u32 $0x1, s5  }
0xa: {  	s4 =	sadd.s32 $0xC00, s4;
	s29 =	sand.u32 $0x30, s7;
	s9 =	sor.u32 s6, s28  }
0xb: {  	s4 =	sadd.s32 s4, s29;
	s30 =	sand.u32 $0x3, s9  }
0xc: {  	s5 =	sadd.s32 s30, s4;
	s4 =	simm.s32 $0x2  }
0xd: {  	[tilespmem:s3], [sflag:$0x2] =	stream.linear.gather [hbm4b:s5+s3], $0x1, $0x38;
	[tilespmem:$0x1880] =	vst v63  }
0xe: {  	_ =	swait.ge [sflag:s4], $0x1  }
0xf: {  	[sflag:s4] =	ssyncset.done $0x0  }
0x10: {  	[sflag:s4] =	ssyncadd.s32 $0xFFFFFFFF  }
0x11: {  	v0 =	vld.msk [tilespmem:$0x0], $0x1;
	_ =	sdelay $0x4  }
0x12: {  	v1 =	vmul.u32 $0x1800, v0  }
0x13: {  	v0 =	vlaneseq.u32  }
0x14: {  	v1 =	vperm.xlane v1, v0;
	_ =	sdelay $0x1  }
0x15: {  	s10 =	ssub.s32 $0x2, s6  }
0x16: {  	s11 =	sshrl.u32 s10, $0x1  }
0x17: {  	s10 =	ssub.s32 s10, s11  }
0x18: {  	vm0 =	vmmov $0x1;
	s7 =	simm.s32 $0x1;
	s6 =	simm.s32 $0x80;
	s31 =	smax.u32 s10, $0x1  }
0x19: {  	[tilespmem:s6], [sflag:$0x1] =	stream.indirect_vreg.gather [hbm4b:s2+s3], $0x1800, v1, vm0, $0x38;
	[tilespmem:$0x1880] =	vst v63  }
0x1a: {  	s9 =	smul.u32 $0x300, s9;
	p0 =	sne.s32 s31, $0x1;
	_ =	swait.ge [sflag:s7], $0x1800  }
.Ltmp1:
0x1b: {  	[sflag:s7] =	ssyncset.done $0x0;
	(pc) =	sbr.rel @!p0 .LBB2_3-.Ltmp1, $4  }
0x1c: {  	s8 =	sadd.s32 s8, s9;
	[sflag:s7] =	ssyncadd.s32 $0xFFFFE800  }
0x1d: {  	[hbm4b:s8+s3] =	stream.linear.scatter [tilespmem:s6], [sflag:$0x2], $0x1800, $0x38;
	[tilespmem:$0x1880] =	vst v63  }
0x1e: {  	_ =	swait.ge [sflag:s4], $0x1800  }
0x1f: {  	s9 =	sadd.s32 $0xFFFFFFFF, s31;
	[sflag:s4] =	ssyncset.done $0x0  }
.LBB2_2:
0x20: {  	p0 =	sne.s32 s9, $0x1;
	s9 =	sadd.s32 $0xFFFFFFFF, s9;
	[sflag:s4] =	ssyncadd.s32 $0xFFFFE800  }
0x21: {  	[tilespmem:s3], [sflag:$0x2] =	stream.linear.gather [hbm4b:s5+s3], $0x1, $0x38;
	[tilespmem:$0x1880] =	vst v63  }
0x22: {  	_ =	swait.ge [sflag:s4], $0x1  }
0x23: {  	[sflag:s4] =	ssyncset.done $0x0  }
0x24: {  	[sflag:s4] =	ssyncadd.s32 $0xFFFFFFFF  }
0x25: {  	v1 =	vld.msk [tilespmem:$0x0], $0x1;
	_ =	sdelay $0x4  }
0x26: {  	v1 =	vmul.u32 $0x1800, v1;
	_ =	sdelay $0x1  }
0x27: {  	v1 =	vperm.xlane v1, v0;
	_ =	sdelay $0x5  }
0x28: {  	[tilespmem:s6], [sflag:$0x1] =	stream.indirect_vreg.gather [hbm4b:s2+s3], $0x1800, v1, vm0, $0x38;
	[tilespmem:$0x1880] =	vst v63  }
0x29: {  	_ =	swait.ge [sflag:s7], $0x1800  }
.Ltmp2:
0x2a: {  	[sflag:s7] =	ssyncset.done $0x0;
	(pc) =	sbr.rel @p0 .LBB2_2-.Ltmp2, $4  }
0x2b: {  	[sflag:s7] =	ssyncadd.s32 $0xFFFFE800  }
0x2c: {  	[hbm4b:s8+s3] =	stream.linear.scatter [tilespmem:s6], [sflag:$0x2], $0x1800, $0x38;
	[tilespmem:$0x1880] =	vst v63  }
0x2d: {  	_ =	swait.ge [sflag:s4], $0x1800  }
0x2e: {  	[sflag:s4] =	ssyncset.done $0x0  }
.LBB2_3:
0x2f: {  	[sflag:s4] =	ssyncadd.s32 $0xFFFFE800  }
.LBB2_4:
0x30: {  	_ =	sfence.sel $0x180000  }
0x31: {  	[bflag:$0x0] =	sbarrier.arrive $0xFFFF  }
0x32: {  	p0 =	sne.s32 s1, $0x0;
	_ =	strace $0x90000047  }
0x33: {  	s0 =	sadd.s32 @!p0 $0x100000, s0;
	[bflag:$0x2] =	sbarrier.arrive $0xFFFF  }
0x34: {  	[sflag:s0] =	ssyncadd.tile.s32 @!p0 $0x1;
	_ =	shalt  }
.Lfunc_end2:
_tile_overlayer_lowered:
.L_overlay_start_2:
0x35: {  	(tag) =	ssettag $0x2  }
0x36: {  	s0 =	rddreg [dreg:$0x0];
	s2 =	stileid.u32  }
0x37: {  	s1 =	rddreg [dreg:$0x1];
	p0 =	sne.s32 s2, $0x0  }
0x38: {  	s3 =	rddreg [dreg:$0x2];
	[bflag:$0x3] =	sbarrier.arrive $0xFFFF;
	s2 =	simm.s32 @!p0 $0x1C02  }
0x39: {  	[timem:s3], [sflag:s2] =	dma.local @!p0 [hbm:s0], s1  }
0x3a: {  	s0 =	simm.s32 @!p0 $0x2  }
0x3b: {  	_ =	swait.ge @!p0 [sflag:s0], s1  }
0x3c: {  	s1 =	ssub.s32 @!p0 $0x0, s1;
	[sflag:s0] =	ssyncset.done @!p0 $0x0  }
0x3d: {  	[sflag:s0] =	ssyncadd.s32 @!p0 s1  }
0x3e: {  	[bflag:$0x3] =	sbarrier.arrive $0xFFFF  }
0x3f: {  	_ =	shalt  }

</sc_bundles>
